<compile_context>
chip_gen: v7x
topology: tpu7x:2x2x1
jax: 0.10.2.dev20260603
libtpu: 0.0.44.dev20260713+nightly
codegen_flags: <defaults>
</compile_context>

<pallas_src>
import functools

import jax
import jax.numpy as jnp
from jax import lax
from jax.experimental import pallas as pl
from jax.experimental.pallas import tpu as pltpu
from jax.experimental.pallas import tpu_sc as plsc

B = 512
NN = 16
N = B * NN
EDGES_PER_G = NN * NN
E = B * EDGES_PER_G
D = 16
HID = 256
FEAT = 128
NUM_ATOMS = 9

_NC = 2
_NS = 16
_NW = _NC * _NS
_BPW = N // _NW

G_BLK = 128
NODES_BLK = G_BLK * NN
ROWS_BLK = G_BLK * EDGES_PER_G


def _make_sc_gather_body(bpw):
    def _sc_gather_body(idx_hbm, mult_hbm, idtab_hbm, multtab_hbm,
                        xid_out, xmult_out, idx_v, midx_v, rows_v, mrows_v,
                        sem, msem):
        wid = lax.axis_index("s") * _NC + lax.axis_index("c")
        base = wid * bpw
        row0 = (wid // 8) * bpw
        col0 = (wid % 8) * D
        pltpu.sync_copy(idx_hbm.at[pl.ds(base, bpw)], idx_v)
        pltpu.sync_copy(mult_hbm.at[pl.ds(base, bpw)], midx_v)
        c1 = pltpu.async_copy(idtab_hbm.at[idx_v], rows_v, sem)
        c2 = pltpu.async_copy(multtab_hbm.at[midx_v], mrows_v, msem)
        c1.wait()
        pltpu.sync_copy(rows_v, xid_out.at[pl.ds(row0, bpw), pl.ds(col0, D)])
        c2.wait()
        pltpu.sync_copy(mrows_v,
                        xmult_out.at[pl.ds(row0, bpw), pl.ds(col0, D)])
    return _sc_gather_body


@jax.jit
def _sc_gather(idx, mult, id_table, mult_table):
    n = idx.shape[0]
    bpw = n // _NW
    mesh = plsc.VectorSubcoreMesh(core_axis_name="c", subcore_axis_name="s")
    fn = functools.partial(
        pl.kernel,
        out_type=[
            jax.ShapeDtypeStruct((n * D // 128, 128), jnp.float32),
            jax.ShapeDtypeStruct((n * D // 128, 128), jnp.float32),
        ],
        mesh=mesh,
        scratch_types=[
            pltpu.VMEM((bpw,), jnp.int32),
            pltpu.VMEM((bpw,), jnp.int32),
            pltpu.VMEM((bpw, D), jnp.float32),
            pltpu.VMEM((bpw, D), jnp.float32),
            pltpu.SemaphoreType.DMA,
            pltpu.SemaphoreType.DMA,
        ],
        compiler_params=pltpu.CompilerParams(use_tc_tiling_on_sc=False),
    )(_make_sc_gather_body(bpw))
    return fn(idx, mult, id_table, mult_table)


def _tc_mlp_body(xid_ref, xm_ref, z_ref, w1_ref, b1_ref, w2_ref,
                 b2_ref, w3_ref, b3_ref, out_ref):
    f32 = jnp.float32
    xid_p = xid_ref[...]
    xm_p = xm_ref[...]
    xid = jnp.concatenate([xid_p[:, 16 * j:16 * (j + 1)] for j in range(8)],
                          axis=0)
    xm = jnp.concatenate([xm_p[:, 16 * j:16 * (j + 1)] for j in range(8)],
                         axis=0)
    w1 = w1_ref[...]
    dot = functools.partial(jnp.dot, preferred_element_type=f32)
    xcat = jnp.concatenate([xid, xm], axis=1)
    wcat = jnp.concatenate([w1[0:32], w1[32:64], w1[96:128]], axis=1)
    big = dot(xcat, wcat)
    xs = big[:, 0:HID]
    xd = big[:, HID:2 * HID]
    xa = big[:, 2 * HID:3 * HID]
    gi = lax.broadcasted_iota(jnp.int32, (G_BLK, NODES_BLK), 0)
    ni = lax.broadcasted_iota(jnp.int32, (G_BLK, NODES_BLK), 1)
    ones_sel = (ni // NN == gi).astype(f32)
    c = (dot(ones_sel, xa) + dot(z_ref[...], w1[64:96])
         + b1_ref[...])
    bf16 = jnp.bfloat16
    xs3 = xs.astype(bf16).reshape(G_BLK, NN, HID)
    xd3 = xd.astype(bf16).reshape(G_BLK, NN, HID)
    cb = c.astype(bf16)
    h1 = jax.nn.relu(xs3[:, :, None, :] + xd3[:, None, :, :]
                     + cb[:, None, None, :])
    h1 = h1.reshape(ROWS_BLK, HID)
    h2 = jax.nn.relu(dot(h1, w2_ref[...]).astype(bf16)
                     + b2_ref[...])
    o = dot(h2, w3_ref[...])
    r = lax.broadcasted_iota(jnp.int32, (EDGES_PER_G, EDGES_PER_G), 0)
    cc = lax.broadcasted_iota(jnp.int32, (EDGES_PER_G, EDGES_PER_G), 1)
    Q = 0.5 * ((cc == (r % NN) * NN + r // NN).astype(f32)
               + (cc == r).astype(f32))
    cols = []
    for g in range(G_BLK):
        og = o[g * EDGES_PER_G:(g + 1) * EDGES_PER_G]
        cols.append(lax.dot_general(
            og, Q, (((0,), (0,)), ((), ())),
            preferred_element_type=f32))
    out_ref[...] = jnp.concatenate(cols, axis=1) + b3_ref[...]


def _tc_mlp(xid, xmult, z_graph, W1, b1, W2, b2, W3, b3, interpret=False):
    nb = z_graph.shape[0]
    grid = nb // G_BLK
    return pl.pallas_call(
        _tc_mlp_body,
        grid=(grid,),
        in_specs=[
            pl.BlockSpec((NODES_BLK * D // 128, 128), lambda i: (i, 0)),
            pl.BlockSpec((NODES_BLK * D // 128, 128), lambda i: (i, 0)),
            pl.BlockSpec((G_BLK, 32), lambda i: (i, 0)),
            pl.BlockSpec((FEAT, HID), lambda i: (0, 0)),
            pl.BlockSpec((1, HID), lambda i: (0, 0)),
            pl.BlockSpec((HID, FEAT), lambda i: (0, 0)),
            pl.BlockSpec((1, FEAT), lambda i: (0, 0)),
            pl.BlockSpec((FEAT, NUM_ATOMS), lambda i: (0, 0)),
            pl.BlockSpec((NUM_ATOMS, 1), lambda i: (0, 0)),
        ],
        out_specs=pl.BlockSpec((NUM_ATOMS, ROWS_BLK), lambda i: (0, i)),
        out_shape=jax.ShapeDtypeStruct(
            (NUM_ATOMS, nb * EDGES_PER_G), jnp.float32),
        compiler_params=pltpu.CompilerParams(
            dimension_semantics=("arbitrary",)),
        interpret=interpret,
    )(xid, xmult, z_graph, W1, b1, W2, b2, W3, b3)


def kernel(shape_node_idx, shape_node_mult, z_graph, id_table, mult_table,
           W1, b1, W2, b2, W3, b3):
    idx = shape_node_idx.astype(jnp.int32)
    mult = shape_node_mult.astype(jnp.int32)
    xid, xmult = _sc_gather(idx, mult, id_table, mult_table)
    out_t = _tc_mlp(xid, xmult, z_graph, W1,
                    b1.reshape(1, HID), W2.astype(jnp.bfloat16),
                    b2.astype(jnp.bfloat16).reshape(1, FEAT),
                    W3.astype(jnp.bfloat16), b3.reshape(NUM_ATOMS, 1))
    return jnp.transpose(out_t)

# --- scband reference (transcript-rebuilt; emitter-appended) ---
"""Pipeline reference for scband-shape-connectivity-predictor-88691074662617 (READ-ONLY COPY).

The authoritative reference and input builder live on the scoring server;
editing this copy changes nothing except your own understanding.
"""

import jax, jax.numpy as jnp
import numpy as np

B = 512        # number of hypergraphs in batch
NN = 16        # nodes per hypergraph (fixed for all graphs)
N = B * NN     # 8192 total shape nodes
E = B * NN * NN  # 131072 block-diagonal all-pairs edges
ID_DIM = 16
MULT_DIM = 16
LATENT = 32
XDIM = ID_DIM + MULT_DIM            # 32
FEAT = 3 * XDIM + LATENT            # 128
HID = 2 * FEAT                      # 256
NUM_ATOMS = 1 + 8                   # 9
VOCAB_ID = 1000
VOCAB_MULT = 64


def setup_inputs(seed: int = 0) -> dict:
    key = jax.random.key(seed)
    ks = jax.random.split(key, 11)
    shape_node_idx = jax.random.randint(ks[0], (N,), 0, VOCAB_ID, dtype=jnp.int64 if jax.config.jax_enable_x64 else jnp.int32)
    shape_node_mult = jax.random.randint(ks[1], (N,), 0, VOCAB_MULT, dtype=jnp.int64 if jax.config.jax_enable_x64 else jnp.int32)
    z_graph = jax.random.normal(ks[2], (B, LATENT), dtype=jnp.float32)
    id_table = jax.random.normal(ks[3], (VOCAB_ID, ID_DIM), dtype=jnp.float32) * 0.02
    mult_table = jax.random.normal(ks[4], (VOCAB_MULT, MULT_DIM), dtype=jnp.float32) * 0.02
    W1 = jax.random.normal(ks[5], (FEAT, HID), dtype=jnp.float32) * (2.0 / FEAT) ** 0.5
    b1 = jnp.zeros((HID,), dtype=jnp.float32)
    W2 = jax.random.normal(ks[6], (HID, FEAT), dtype=jnp.float32) * (2.0 / HID) ** 0.5
    b2 = jnp.zeros((FEAT,), dtype=jnp.float32)
    W3 = jax.random.normal(ks[7], (FEAT, NUM_ATOMS), dtype=jnp.float32) * (2.0 / FEAT) ** 0.5
    b3 = jnp.zeros((NUM_ATOMS,), dtype=jnp.float32)
    return {
        'shape_node_idx': shape_node_idx,
        'shape_node_mult': shape_node_mult,
        'z_graph': z_graph,
        'id_table': id_table,
        'mult_table': mult_table,
        'W1': W1, 'b1': b1, 'W2': W2, 'b2': b2, 'W3': W3, 'b3': b3,
    }


def _mlp(x, W1, b1, W2, b2, W3, b3):
    h = jax.nn.relu(x @ W1 + b1)
    h = jax.nn.relu(h @ W2 + b2)
    return h @ W3 + b3


def reference(shape_node_idx, shape_node_mult, z_graph, id_table, mult_table, W1, b1, W2, b2, W3, b3):
    Bg = z_graph.shape[0]
    Nt = shape_node_idx.shape[0]
    nn = Nt // Bg
    # block_diag(ones(nn,nn) for each graph).nonzero() -> all intra-graph pairs, row-major
    g = jnp.arange(Bg)
    loc = jnp.arange(nn)
    src = (g[:, None, None] * nn + loc[None, :, None] + 0 * loc[None, None, :]).reshape(-1)
    dst = (g[:, None, None] * nn + 0 * loc[None, :, None] + loc[None, None, :]).reshape(-1)
    # node featurizer: embedding lookups (gather)
    x = jnp.concatenate([jnp.take(id_table, shape_node_idx, axis=0),
                         jnp.take(mult_table, shape_node_mult, axis=0)], axis=-1)
    # per-graph aggregation (node_aggregation = 'sum') via segment reduce
    graph_ids = jnp.repeat(jnp.arange(Bg), nn)
    shape_set_emb_agg = jax.ops.segment_sum(x, graph_ids, num_segments=Bg)
    # repeat_interleave by num_shape_connections = nn^2 per graph
    rep = nn * nn
    z_graph_repeated = jnp.repeat(z_graph, rep, axis=0)
    agg_repeated = jnp.repeat(shape_set_emb_agg, rep, axis=0)
    # x[edge_index].flatten(1) == concat(x[src], x[dst])
    inp = jnp.concatenate([x[src], x[dst], z_graph_repeated, agg_repeated], axis=-1)
    hypernode_join = _mlp(inp, W1, b1, W2, b2, W3, b3)  # [E, NUM_ATOMS]
    # _to_symmetric: vals_sym[(i,j)] = mean(vals[(i,j)], vals[(j,i)]) via gather on transpose perm
    e = jnp.arange(Bg * nn * nn)
    gidx = e // (nn * nn)
    r = e % (nn * nn)
    a = r // nn
    b = r % nn
    perm = gidx * nn * nn + b * nn + a
    logits_sym = 0.5 * (hypernode_join + hypernode_join[perm])
    return logits_sym

if __name__ == "__main__":
    import jax
    _d = setup_inputs()
    print(jax.jit(kernel)(*tuple(_d.values())))

</pallas_src>

<mosaic_0001>
#map = affine_map<(d0, d1) -> (0)>
#map1 = affine_map<(d0, d1) -> (0, 0)>
module attributes {stable_mosaic.version = 14 : i64} {
  func.func @_sc_gather_body(%arg0: i32, %arg1: i32, %arg2: memref<8192xi32, #tpu.memory_space<hbm>>, %arg3: memref<8192xi32, #tpu.memory_space<hbm>>, %arg4: memref<1000x16xf32, #tpu.memory_space<hbm>>, %arg5: memref<64x16xf32, #tpu.memory_space<hbm>>, %arg6: memref<1024x128xf32, #tpu.memory_space<hbm>>, %arg7: memref<1024x128xf32, #tpu.memory_space<hbm>>, %arg8: memref<256xi32, #tpu.memory_space<vmem>>, %arg9: memref<256xi32, #tpu.memory_space<vmem>>, %arg10: memref<256x16xf32, #tpu.memory_space<vmem>>, %arg11: memref<256x16xf32, #tpu.memory_space<vmem>>, %arg12: memref<!tpu.dma_semaphore, #tpu.memory_space<semaphore_mem>>, %arg13: memref<!tpu.dma_semaphore, #tpu.memory_space<semaphore_mem>>) attributes {dimension_semantics = [#tpu.dimension_semantics<core_parallel>, #tpu.dimension_semantics<subcore_parallel>], iteration_bounds = array<i64: 2, 16>, scalar_prefetch = 0 : i64, scratch_operands = 6 : i64, tpu.core_type = #tpu.core_type<sc_vector_subcore>, window_params = [{transform_indices = #map}, {transform_indices = #map}, {transform_indices = #map1}, {transform_indices = #map1}, {transform_indices = #map1}, {transform_indices = #map1}]} {
    %mul3A = arith.constant 2 : i32
    %mul3A_0 = arith.muli %arg1, %mul3A : i32
    %add3A = arith.addi %mul3A_0, %arg0 : i32
    %mul3A_1 = arith.constant 256 : i32
    %mul3A_2 = arith.muli %add3A, %mul3A_1 : i32
    %jit3A = arith.constant 8 : i32
    %div3A = arith.divsi %add3A, %jit3A : i32
    %sign3A = arith.constant 0 : i32
    %sign3A_3 = arith.cmpi sgt, %add3A, %sign3A : i32
    %sign3A_4 = arith.extui %sign3A_3 : i1 to i32
    %sign3A_5 = arith.constant 0 : i32
    %sign3A_6 = arith.cmpi slt, %add3A, %sign3A_5 : i32
    %sign3A_7 = arith.extui %sign3A_6 : i1 to i32
    %sign3A_8 = arith.subi %sign3A_4, %sign3A_7 : i32
    %sign3A_9 = arith.constant 0 : i32
    %sign3A_10 = arith.cmpi sgt, %jit3A, %sign3A_9 : i32
    %sign3A_11 = arith.extui %sign3A_10 : i1 to i32
    %sign3A_12 = arith.constant 0 : i32
    %sign3A_13 = arith.cmpi slt, %jit3A, %sign3A_12 : i32
    %sign3A_14 = arith.extui %sign3A_13 : i1 to i32
    %sign3A_15 = arith.subi %sign3A_11, %sign3A_14 : i32
    %ne3A = arith.cmpi ne, %sign3A_8, %sign3A_15 : i32
    %rem3A = arith.remsi %add3A, %jit3A : i32
    %ne3A_16 = arith.constant 0 : i32
    %ne3A_17 = arith.cmpi ne, %rem3A, %ne3A_16 : i32
    %and3A = arith.andi %ne3A, %ne3A_17 : i1
    %sub3A = arith.constant 1 : i32
    %sub3A_18 = arith.subi %div3A, %sub3A : i32
    %select_n3A = arith.select %and3A, %sub3A_18, %div3A : i32
    %mul3A_19 = arith.constant 256 : i32
    %mul3A_20 = arith.muli %select_n3A, %mul3A_19 : i32
    %jit3A_21 = arith.constant 8 : i32
    %eq3A = arith.constant 0 : i32
    %eq3A_22 = arith.cmpi eq, %jit3A_21, %eq3A : i32
    %jit3A_23 = arith.constant 1 : i32
    %select_n3A_24 = arith.select %eq3A_22, %jit3A_23, %jit3A_21 : i32
    %rem3A_25 = arith.remsi %add3A, %select_n3A_24 : i32
    %ne3A_26 = arith.constant 0 : i32
    %ne3A_27 = arith.cmpi ne, %rem3A_25, %ne3A_26 : i32
    %lt3A = arith.constant 0 : i32
    %lt3A_28 = arith.cmpi slt, %rem3A_25, %lt3A : i32
    %lt3A_29 = arith.constant 0 : i32
    %lt3A_30 = arith.cmpi slt, %select_n3A_24, %lt3A_29 : i32
    %ne3A_31 = arith.xori %lt3A_28, %lt3A_30 : i1
    %and3A_32 = arith.andi %ne3A_31, %ne3A_27 : i1
    %add3A_33 = arith.addi %rem3A_25, %select_n3A_24 : i32
    %select_n3A_34 = arith.select %and3A_32, %add3A_33, %rem3A_25 : i32
    %mul3A_35 = arith.constant 16 : i32
    %mul3A_36 = arith.muli %select_n3A_34, %mul3A_35 : i32
    "tpu.region"() ({
      %run_scoped3A = tpu.sem_alloc : memref<!tpu.dma_semaphore, #tpu.memory_space<semaphore_mem>>
      %dma_start3A_47 = tpu.memref_slice %arg2[%mul3A_2] : memref<8192xi32, #tpu.memory_space<hbm>> -> memref<256xi32, #tpu.memory_space<hbm>>
      %dma_start3A_48 = tpu.memref_slice %arg2[%mul3A_2] : memref<8192xi32, #tpu.memory_space<hbm>> -> memref<256xi32, #tpu.memory_space<hbm>>
      tpu.enqueue_dma source(%dma_start3A_48 : memref<256xi32, #tpu.memory_space<hbm>>) target(%arg8 : memref<256xi32, #tpu.memory_space<vmem>>) target_semaphore(%run_scoped3A : memref<!tpu.dma_semaphore, #tpu.memory_space<semaphore_mem>>)
      %dma_wait3A_49 = tpu.memref_slice %arg2[%mul3A_2] : memref<8192xi32, #tpu.memory_space<hbm>> -> memref<256xi32, #tpu.memory_space<hbm>>
      %dma_wait3A_50 = tpu.memref_slice %arg2[%mul3A_2] : memref<8192xi32, #tpu.memory_space<hbm>> -> memref<256xi32, #tpu.memory_space<hbm>>
      tpu.wait_dma2 semaphore(%run_scoped3A : memref<!tpu.dma_semaphore, #tpu.memory_space<semaphore_mem>>) src(%dma_wait3A_50 : memref<256xi32, #tpu.memory_space<hbm>>) dst(%arg8 : memref<256xi32, #tpu.memory_space<vmem>>)
      tpu.yield
    }) : () -> ()
    "tpu.region"() ({
      %run_scoped3A = tpu.sem_alloc : memref<!tpu.dma_semaphore, #tpu.memory_space<semaphore_mem>>
      %dma_start3A_47 = tpu.memref_slice %arg3[%mul3A_2] : memref<8192xi32, #tpu.memory_space<hbm>> -> memref<256xi32, #tpu.memory_space<hbm>>
      %dma_start3A_48 = tpu.memref_slice %arg3[%mul3A_2] : memref<8192xi32, #tpu.memory_space<hbm>> -> memref<256xi32, #tpu.memory_space<hbm>>
      tpu.enqueue_dma source(%dma_start3A_48 : memref<256xi32, #tpu.memory_space<hbm>>) target(%arg9 : memref<256xi32, #tpu.memory_space<vmem>>) target_semaphore(%run_scoped3A : memref<!tpu.dma_semaphore, #tpu.memory_space<semaphore_mem>>)
      %dma_wait3A_49 = tpu.memref_slice %arg3[%mul3A_2] : memref<8192xi32, #tpu.memory_space<hbm>> -> memref<256xi32, #tpu.memory_space<hbm>>
      %dma_wait3A_50 = tpu.memref_slice %arg3[%mul3A_2] : memref<8192xi32, #tpu.memory_space<hbm>> -> memref<256xi32, #tpu.memory_space<hbm>>
      tpu.wait_dma2 semaphore(%run_scoped3A : memref<!tpu.dma_semaphore, #tpu.memory_space<semaphore_mem>>) src(%dma_wait3A_50 : memref<256xi32, #tpu.memory_space<hbm>>) dst(%arg9 : memref<256xi32, #tpu.memory_space<vmem>>)
      tpu.yield
    }) : () -> ()
    %dma_start3A = arith.constant 0 : i32
    %dma_start3A_37 = arith.constant 0 : i32
    %dma_start3A_38 = tpu.memref_slice %arg4[%dma_start3A, %dma_start3A_37] : memref<1000x16xf32, #tpu.memory_space<hbm>> -> memref<1000x16xf32, #tpu.memory_space<hbm>>
    tpu.enqueue_indirect_dma source(%dma_start3A_38 : memref<1000x16xf32, #tpu.memory_space<hbm>>) target(%arg10 : memref<256x16xf32, #tpu.memory_space<vmem>>) offsets(%arg8 : memref<256xi32, #tpu.memory_space<vmem>>) semaphore(%arg12 : memref<!tpu.dma_semaphore, #tpu.memory_space<semaphore_mem>>)
    %dma_start3A_39 = arith.constant 0 : i32
    %dma_start3A_40 = arith.constant 0 : i32
    %dma_start3A_41 = tpu.memref_slice %arg5[%dma_start3A_39, %dma_start3A_40] : memref<64x16xf32, #tpu.memory_space<hbm>> -> memref<64x16xf32, #tpu.memory_space<hbm>>
    tpu.enqueue_indirect_dma source(%dma_start3A_41 : memref<64x16xf32, #tpu.memory_space<hbm>>) target(%arg11 : memref<256x16xf32, #tpu.memory_space<vmem>>) offsets(%arg9 : memref<256xi32, #tpu.memory_space<vmem>>) semaphore(%arg13 : memref<!tpu.dma_semaphore, #tpu.memory_space<semaphore_mem>>)
    %dma_wait3A = arith.constant 0 : i32
    %dma_wait3A_42 = arith.constant 0 : i32
    %dma_wait3A_43 = tpu.memref_slice %arg4[%dma_wait3A, %dma_wait3A_42] : memref<1000x16xf32, #tpu.memory_space<hbm>> -> memref<1000x16xf32, #tpu.memory_space<hbm>>
    tpu.wait_indirect_dma semaphore(%arg12 : memref<!tpu.dma_semaphore, #tpu.memory_space<semaphore_mem>>) src(%dma_wait3A_43 : memref<1000x16xf32, #tpu.memory_space<hbm>>) dst(%arg10 : memref<256x16xf32, #tpu.memory_space<vmem>>)
    "tpu.region"() ({
      %run_scoped3A = tpu.sem_alloc : memref<!tpu.dma_semaphore, #tpu.memory_space<semaphore_mem>>
      %dma_start3A_47 = tpu.memref_slice %arg6[%mul3A_20, %mul3A_36] : memref<1024x128xf32, #tpu.memory_space<hbm>> -> memref<256x16xf32, #tpu.memory_space<hbm>>
      %dma_start3A_48 = tpu.memref_slice %arg6[%mul3A_20, %mul3A_36] : memref<1024x128xf32, #tpu.memory_space<hbm>> -> memref<256x16xf32, #tpu.memory_space<hbm>>
      tpu.enqueue_dma source(%arg10 : memref<256x16xf32, #tpu.memory_space<vmem>>) target(%dma_start3A_48 : memref<256x16xf32, #tpu.memory_space<hbm>>) target_semaphore(%run_scoped3A : memref<!tpu.dma_semaphore, #tpu.memory_space<semaphore_mem>>)
      %dma_wait3A_49 = tpu.memref_slice %arg6[%mul3A_20, %mul3A_36] : memref<1024x128xf32, #tpu.memory_space<hbm>> -> memref<256x16xf32, #tpu.memory_space<hbm>>
      %dma_wait3A_50 = tpu.memref_slice %arg6[%mul3A_20, %mul3A_36] : memref<1024x128xf32, #tpu.memory_space<hbm>> -> memref<256x16xf32, #tpu.memory_space<hbm>>
      tpu.wait_dma2 semaphore(%run_scoped3A : memref<!tpu.dma_semaphore, #tpu.memory_space<semaphore_mem>>) src(%arg10 : memref<256x16xf32, #tpu.memory_space<vmem>>) dst(%dma_wait3A_50 : memref<256x16xf32, #tpu.memory_space<hbm>>)
      tpu.yield
    }) : () -> ()
    %dma_wait3A_44 = arith.constant 0 : i32
    %dma_wait3A_45 = arith.constant 0 : i32
    %dma_wait3A_46 = tpu.memref_slice %arg5[%dma_wait3A_44, %dma_wait3A_45] : memref<64x16xf32, #tpu.memory_space<hbm>> -> memref<64x16xf32, #tpu.memory_space<hbm>>
    tpu.wait_indirect_dma semaphore(%arg13 : memref<!tpu.dma_semaphore, #tpu.memory_space<semaphore_mem>>) src(%dma_wait3A_46 : memref<64x16xf32, #tpu.memory_space<hbm>>) dst(%arg11 : memref<256x16xf32, #tpu.memory_space<vmem>>)
    "tpu.region"() ({
      %run_scoped3A = tpu.sem_alloc : memref<!tpu.dma_semaphore, #tpu.memory_space<semaphore_mem>>
      %dma_start3A_47 = tpu.memref_slice %arg7[%mul3A_20, %mul3A_36] : memref<1024x128xf32, #tpu.memory_space<hbm>> -> memref<256x16xf32, #tpu.memory_space<hbm>>
      %dma_start3A_48 = tpu.memref_slice %arg7[%mul3A_20, %mul3A_36] : memref<1024x128xf32, #tpu.memory_space<hbm>> -> memref<256x16xf32, #tpu.memory_space<hbm>>
      tpu.enqueue_dma source(%arg11 : memref<256x16xf32, #tpu.memory_space<vmem>>) target(%dma_start3A_48 : memref<256x16xf32, #tpu.memory_space<hbm>>) target_semaphore(%run_scoped3A : memref<!tpu.dma_semaphore, #tpu.memory_space<semaphore_mem>>)
      %dma_wait3A_49 = tpu.memref_slice %arg7[%mul3A_20, %mul3A_36] : memref<1024x128xf32, #tpu.memory_space<hbm>> -> memref<256x16xf32, #tpu.memory_space<hbm>>
      %dma_wait3A_50 = tpu.memref_slice %arg7[%mul3A_20, %mul3A_36] : memref<1024x128xf32, #tpu.memory_space<hbm>> -> memref<256x16xf32, #tpu.memory_space<hbm>>
      tpu.wait_dma2 semaphore(%run_scoped3A : memref<!tpu.dma_semaphore, #tpu.memory_space<semaphore_mem>>) src(%arg11 : memref<256x16xf32, #tpu.memory_space<vmem>>) dst(%dma_wait3A_50 : memref<256x16xf32, #tpu.memory_space<hbm>>)
      tpu.yield
    }) : () -> ()
    return
  }
}

</mosaic_0001>

<sc_bundles>
// kernel: _sc_gather.3.cloned.1.call-start
scs
__scs_entry_jumppad:
0x0: {  	(pc) =	sbr.rel $0x88, $3  }
0x1: {  	(tag) =	ssettag $0x0;
	lr =	simm.s32 $0x1  }
0x2: {  	[smem:$0x3F9D] =	sst lr;
	_ =	strace $0xD0000000  }
0x3: {  	_ = 	snop  }
0x4: {  	_ = 	snop  }
0x5: {  	_ = 	snop  }
0x6: {  	_ = 	snop  }
0x7: {  	_ = 	snop  }
__scs_overlays_trampoline_lowered:
0x8: {  	[smem:$0x3FAC] =	sst s0  }
0x9: {  	[smem:$0x3FAD] =	sst s1  }
0xa: {  	[smem:$0x3FAE] =	sst s2  }
0xb: {  	[smem:$0x3FAF] =	sst s3  }
0xc: {  	[smem:$0x3FB0] =	sst s4  }
0xd: {  	[smem:$0x3FB1] =	sst s5  }
0xe: {  	[smem:$0x3FB2] =	sst s6  }
0xf: {  	[smem:$0x3FB3] =	sst s7  }
0x10: {  	[smem:$0x3FB4] =	sst s8  }
0x11: {  	[smem:$0x3FB5] =	sst s9;
	s0 =	simm.s32 @!p0 $0x0  }
0x12: {  	s1 =	sld [smem:$0x3F9B];
	s0 =	simm.s32 @p0 $0x1  }
0x13: {  	[smem:$0x3FB6] =	sst s0;
	s0 =	simm.s32 @!p1 $0x0  }
0x14: {  	s2 =	sld [smem:$0x3F9A];
	s0 =	simm.s32 @p1 $0x1  }
0x15: {  	[smem:$0x3FB7] =	sst s0;
	s0 =	simm.s32 @!p2 $0x0  }
0x16: {  	s3 =	sld [smem:$0x3FDB];
	s0 =	simm.s32 @p2 $0x1  }
0x17: {  	s4 =	simm.s32 $0x1BF5;
	[smem:$0x3FB9] =	sst s0  }
0x18: {  	s0 =	sld [smem:$0x3F9C];
	_ =	swait.ge [sflag:s4], $0x0  }
0x19: {  	s7 =	sld [smem:$0x3F9D]  }
0x1a: {  	s8 =	sadd.s32 $0xFFFFE003, lr  }
0x1b: {  	s9 =	sadd.s32 $0xFFFFFEF7, lr;
	s5 =	simm.s32 $0xFFFFFFFF;
	p2 =	slt.u32 s8, $0xFFFFF086  }
0x1c: {  	p1 =	slt.u32 s9, $0xF7A;
	s5 =	simm.s32 @!p2 $0x0  }
0x1d: {  	s5 =	simm.s32 @p1 $0x1;
	p0 =	seq.s32 s7, s2  }
0x1e: {  	s7 =	smul.u32 @!p0 $0xF7A, s2;
	p2 =	seq.s32 @!p0 s5, $0x0  }
0x1f: {  	s9 =	smul.u32 $0xF7A, s1;
	s8 =	simm.s32 @!p0 $0x1BF5;
	p2 =	por !p2, p0  }
0x20: {  	[sflag:s8] =	ssyncset.s32 @!p0 $0xFFFFF086;
	s6 =	sadd.s32 @!p0 s3, s7;
	s7 =	simm.s32 @!p0 $0x108  }
0x21: {  	s3 =	sadd.s32 s3, s9;
	s6 =	sadd.s32 @!p0 $0x88, s6;
	s7 =	simm.s32 @p2 $0x1082  }
0x22: {  	[simem:s7], [sflag:s8] =	dma.local @!p0 [hbm:s6], $0xF7A  }
0x23: {  	s9 =	sor.u32 $0xD0000000, s2;
	s6 =	simm.s32 $0x108;
	_ =	swait.ge @!p0 [sflag:s8], $0x0  }
0x24: {  	s3 =	sadd.s32 $0x88, s3;
	s6 =	simm.s32 @!p1 $0x1082;
	[sflag:s4] =	ssyncset.s32 $0xFFFFF086  }
0x25: {  	[simem:s6], [sflag:s4] =	dma.local [hbm:s3], $0xF7A  }
0x26: {  	[smem:$0x3F9D] =	sst s1;
	(tag) =	ssettag s2;
	_ =	strace s9  }
0x27: {  	s1 =	sld [smem:$0x3FAD]  }
0x28: {  	s2 =	sld [smem:$0x3FAE]  }
0x29: {  	s4 =	sld [smem:$0x3FB0]  }
0x2a: {  	p0 =	seq.s32 s5, $0x0;
	s5 =	sld [smem:$0x3FB1]  }
0x2b: {  	s6 =	sld [smem:$0x3FB2]  }
0x2c: {  	s7 =	sld [smem:$0x3FB3]  }
0x2d: {  	s3 =	simm.s32 $0x108;
	s8 =	sld [smem:$0x3FB4]  }
0x2e: {  	s3 =	simm.s32 @!p0 $0x1082;
	s9 =	sld [smem:$0x3FB5]  }
0x2f: {  	lr =	sadd.s32 s0, s3;
	s0 =	sld [smem:$0x3FAC]  }
0x30: {  	s3 =	sld [smem:$0x3FAF]  }
0x31: {  	[smem:$0x3FB8] =	sst s10  }
0x32: {  	s10 =	sld [smem:$0x3FB6];
	_ =	sdelay $0x3  }
0x33: {  	p0 =	seq.s32 s10, $0x1;
	s10 =	sld [smem:$0x3FB8];
	_ =	sdelay $0x3  }
0x34: {  	[smem:$0x3FB8] =	sst s10  }
0x35: {  	s10 =	sld [smem:$0x3FB7];
	_ =	sdelay $0x3  }
0x36: {  	p1 =	seq.s32 s10, $0x1;
	s10 =	sld [smem:$0x3FB8];
	_ =	sdelay $0x3  }
0x37: {  	[smem:$0x3FB8] =	sst s10  }
0x38: {  	s10 =	sld [smem:$0x3FB9]  }
0x39: {  	_ = 	snop;
	(pc) =	sbr.ind lr, $3  }
0x3a: {  	_ = 	snop  }
0x3b: {  	_ = 	snop  }
0x3c: {  	p2 =	seq.s32 s10, $0x1;
	s10 =	sld [smem:$0x3FB8]  }
0x3d: {  	_ =	shalt  }
0x3e: {  	_ =	shalt  }
0x3f: {  	_ =	shalt  }
0x40: {  	_ =	shalt  }
0x41: {  	_ =	shalt  }
0x42: {  	_ =	shalt  }
0x43: {  	_ =	shalt  }
0x44: {  	_ =	shalt  }
0x45: {  	_ =	shalt  }
0x46: {  	_ =	shalt  }
0x47: {  	_ =	shalt  }
0x48: {  	_ =	shalt  }
0x49: {  	_ =	shalt  }
0x4a: {  	_ =	shalt  }
0x4b: {  	_ =	shalt  }
0x4c: {  	_ =	shalt  }
0x4d: {  	_ =	shalt  }
0x4e: {  	_ =	shalt  }
0x4f: {  	_ =	shalt  }
0x50: {  	_ =	shalt  }
0x51: {  	_ =	shalt  }
0x52: {  	_ =	shalt  }
0x53: {  	_ =	shalt  }
0x54: {  	_ =	shalt  }
0x55: {  	_ =	shalt  }
0x56: {  	_ =	shalt  }
0x57: {  	_ =	shalt  }
0x58: {  	_ =	shalt  }
0x59: {  	_ =	shalt  }
0x5a: {  	_ =	shalt  }
0x5b: {  	_ =	shalt  }
0x5c: {  	_ =	shalt  }
0x5d: {  	_ =	shalt  }
0x5e: {  	_ =	shalt  }
0x5f: {  	_ =	shalt  }
0x60: {  	_ =	shalt  }
0x61: {  	_ =	shalt  }
0x62: {  	_ =	shalt  }
0x63: {  	_ =	shalt  }
0x64: {  	_ =	shalt  }
0x65: {  	_ =	shalt  }
0x66: {  	_ =	shalt  }
0x67: {  	_ =	shalt  }
0x68: {  	_ =	shalt  }
0x69: {  	_ =	shalt  }
0x6a: {  	_ =	shalt  }
0x6b: {  	_ =	shalt  }
0x6c: {  	_ =	shalt  }
0x6d: {  	_ =	shalt  }
0x6e: {  	_ =	shalt  }
0x6f: {  	_ =	shalt  }
0x70: {  	_ =	shalt  }
0x71: {  	_ =	shalt  }
0x72: {  	_ =	shalt  }
0x73: {  	_ =	shalt  }
0x74: {  	_ =	shalt  }
0x75: {  	_ =	shalt  }
0x76: {  	_ =	shalt  }
0x77: {  	_ =	shalt  }
0x78: {  	_ =	shalt  }
0x79: {  	_ =	shalt  }
0x7a: {  	_ =	shalt  }
0x7b: {  	_ =	shalt  }
0x7c: {  	_ =	shalt  }
0x7d: {  	_ =	shalt  }
0x7e: {  	_ =	shalt  }
0x7f: {  	_ =	shalt  }
0x80: {  	_ =	shalt  }
0x81: {  	_ =	shalt  }
0x82: {  	_ =	shalt  }
0x83: {  	_ =	shalt  }
0x84: {  	_ =	shalt  }
0x85: {  	_ =	shalt  }
0x86: {  	_ =	shalt  }
0x87: {  	_ =	shalt  }
.Lfunc_end0:
.L_simem_size_0:
called_computation_lowered:
.L_overlay_start_0:
0x88: {  	s2 =	sld [smem:$0x3FD9]  }
0x89: {  	s3 =	sld [smem:$0x3FFE];
	_ =	sdelay $0x1  }
0x8a: {  	s1 =	srdreg.scid  }
0x8b: {  	s0 =	sand.u32 $0x1, s1  }
0x8c: {  	s14 =	sshll.u32 s0, $0xA;
	s2 =	sadd.s32 s3, s2  }
0x8d: {  	s2 =	sadd.s32 s2, s14  }
0x8e: {  	[smem:$0x3FC4] =	sst s2  }
0x8f: {  	_ = 	snop  }
0x90: {  	s2 =	sld [smem:$0x3FD0];
	_ =	sdelay $0x1  }
0x91: {  	s15 =	sld [smem:$0x3FC9]  }
0x92: {  	s5 =	simm.s32 $0xA;
	s6 =	simm.s32 $0x10;
	s4 =	sld [smem:$0x3FC8]  }
0x93: {  	[smem:s6], [sflag:s5] =	dma.local [hbm:s2], $0x1  }
0x94: {  	_ =	swait.eq [sflag:s5], $0x1  }
0x95: {  	[sflag:s5] =	ssyncset.done $0x0  }
0x96: {  	s16 =	sld [smem:$0x10];
	[sflag:s5] =	ssyncadd.s32 $0xFFFFFFFF  }
0x97: {  	s17 =	sld [smem:$0x11];
	(tm) =	ssettm $0x1  }
0x98: {  	s18 =	sld [smem:$0x3FFB];
	_ =	sdelay $0x3  }
0x99: {  	_ =	strace s18  }
0x9a: {  	s6 =	sld [smem:$0x3FFC];
	_ =	sdelay $0x3  }
0x9b: {  	_ =	strace s6  }
0x9c: {  	s6 =	sld [smem:$0x3FFD];
	_ =	sdelay $0x3  }
0x9d: {  	_ =	strace s6  }
0x9e: {  	_ =	strace $0x8FFFFFFF  }
0x9f: {  	s19 =	sld [smem:$0x3FDB];
	_ =	sdelay $0x1  }
0xa0: {  	s7 =	simm.s32 $_scs_section_size  }
0xa1: {  	s8 =	simm.s32 $_size__tile_overlayer_lowered;
	s9 =	simm.s32 $_tile_overlayer_lowered  }
0xa2: {  	s22 =	simm.s32 $0x1BFF;
	s21 =	sshll.u32 s9, $0x1;
	s6 =	sadd.s32 s7, s19  }
0xa3: {  	s10 =	simm.s32 $0x0;
	s20 =	sshll.u32 s8, $0x1;
	s8 =	sadd.s32 s21, s6  }
0xa4: {  	[timem:s10], [sflag:s22] =	dma.local [hbm:s8], s20  }
0xa5: {  	_ =	swait.ge [sflag:s22], s20  }
0xa6: {  	s7 =	ssub.s32 $0x0, s20;
	[sflag:s22] =	ssyncset.done $0x0  }
0xa7: {  	[sflag:s22] =	ssyncadd.s32 s7;
	_ =	sdelay $0x1  }
0xa8: {  	s23 =	simm.s32 $0x1B8B  }
0xa9: {  	_ =	swait.ge [sflag:s23], $0x1  }
0xaa: {  	[sflag:s23] =	ssyncset.done $0x0  }
0xab: {  	s25 =	simm.s32 $0x1B8E;
	s24 =	sld [smem:$0x3FFE];
	[sflag:s23] =	ssyncadd.s32 $0xFFFFFFFF  }
0xac: {  	s26 =	simm.s32 $execute0_lowered;
	[smem:$0x3FD2] =	sst s25  }
0xad: {  	s8 =	sshll.u32 s26, $0x1;
	_ =	strace $0x80000046;
	[dreg:$0x1] =	wrdreg $0xFFFFFFFF  }
0xae: {  	s28 =	simm.s32 $_size_execute0_lowered;
	s6 =	sadd.s32 s6, s8;
	[dreg:$0x0] =	wrdreg $0x0  }
0xaf: {  	s8 =	sshll.u32 s28, $0x1;
	[dreg:$0x2] =	wrdreg s6  }
0xb0: {  	[dreg:$0x3] =	wrdreg s8  }
0xb1: {  	[dreg:$0x4] =	wrdreg $0xC0  }
0xb2: {  	_ =	task [dreg:s10], $0x5FFFF  }
0xb3: {  	[dreg:$0x1] =	wrdreg $0xFFFFFFFF  }
0xb4: {  	[dreg:$0x0] =	wrdreg $0x60  }
0xb5: {  	[dreg:$0x2] =	wrdreg s15  }
0xb6: {  	[dreg:$0x3] =	wrdreg s4  }
0xb7: {  	[dreg:$0x4] =	wrdreg s24  }
0xb8: {  	[dreg:$0x5] =	wrdreg s16  }
0xb9: {  	[dreg:$0x6] =	wrdreg s17  }
0xba: {  	[dreg:$0x7] =	wrdreg $0x9  }
0xbb: {  	_ =	task.clear_ibuf [dreg:s10], $0x8FFFF;
	_ =	strace $0x90000046  }
0xbc: {  	s29 =	simm.s32 $0x9;
	_ =	strace $0x80000048  }
0xbd: {  	_ =	swait.ge [sflag:s29], $0x1  }
0xbe: {  	[sflag:s29] =	ssyncadd.s32 $0xFFFFFFFF  }
0xbf: {  	_ =	strace $0x90000048  }
0xc0: {  	_ =	sfence  }
0xc1: {  	s30 =	sld [smem:$0x0];
	_ =	sdelay $0x2  }
0xc2: {  	s31 =	sshll.u32 s1, $0xD;
	s1 =	sshrl.u32 s1, $0x2  }
0xc3: {  	s3 =	sand.u32 $0x4000, s31;
	s1 =	sadd.s32 s1, s30  }
0xc4: {  	s0 =	sor.u32 s3, s0;
	s1 =	sshll.u32 s1, $0x11  }
0xc5: {  	s0 =	sor.u32 s1, s0  }
0xc6: {  	s0 =	sadd.s32 $0x8F2B, s0  }
0xc7: {  	[sflag:s0] =	ssyncadd.remote.s32 $0x1  }
0xc8: {  	_ =	sfence.sel $0xFFFF  }
0xc9: {  	[dreg:$0x0] =	wrdreg $0xFFFFFFFF;
	(pc) =	sbr.abs _section_cstart, $3  }
0xca: {  	[dreg:$0x1] =	wrdreg $0xFFFFFFFF  }
0xcb: {  	_ =	task.clear_ibuf [dreg:s10], $0x2FFFF;
	_ =	strace $0x9FFFFFFF  }
0xcc: {  	(tm) =	ssettm $0x7FFFFFFF  }
0xcd: {  	_ =	shalt  }
tec
execute0_lowered:
.L_overlay_start_1:
0x0: {  	(tag) =	ssettag $0x1  }
0x1: {  	s3 =	rddreg [dreg:$0x0]  }
0x2: {  	s5 =	rddreg [dreg:$0x1]  }
0x3: {  	s8 =	rddreg [dreg:$0x2]  }
0x4: {  	s12 =	rddreg [dreg:$0x3]  }
0x5: {  	s1 =	srdreg.scid;
	s0 =	stileid.u32  }
0x6: {  	s16 =	rddreg [dreg:$0x4];
	s15 =	sand.u32 $0x1, s1;
	s4 =	sshll.u32 s0, $0x1  }
0x7: {  	s2 =	simm.s32 $0x0;
	s1 =	rddreg [dreg:$0x5];
	s9 =	sor.u32 s15, s4  }
0x8: {  	[smem:$0x7FF] =	sst s2;
	s6 =	sshll.u32 s9, $0x5  }
0x9: {  	_ =	strace $0x80000047;
	s4 =	sadd.s32 s3, s6;
	s3 =	simm.s32 $0x3  }
0xa: {  	[tilespmem:s2], [sflag:$0x3] =	stream.linear.gather [hbm4b:s4+s2], $0x100, $0x38;
	[tilespmem:$0x2200] =	vst v63  }
0xb: {  	_ =	swait.ge [sflag:s3], $0x100  }
0xc: {  	[sflag:s3] =	ssyncset.done $0x0  }
0xd: {  	s5 =	sadd.s32 s5, s6;
	s6 =	simm.s32 $0x100;
	[sflag:s3] =	ssyncadd.s32 $0xFFFFFF00  }
0xe: {  	[tilespmem:s6], [sflag:$0x3] =	stream.linear.gather [hbm4b:s5+s2], $0x100, $0x38;
	[tilespmem:$0x2200] =	vst v63  }
0xf: {  	s7 =	sadd.s32 $0xC00, s8;
	_ =	swait.ge [sflag:s3], $0x100  }
0x10: {  	s8 =	sadd.s32 $0xA00, s8;
	s10 =	sshll.u32 s0, $0xA;
	[sflag:s3] =	ssyncset.done $0x0  }
0x11: {  	s11 =	sshll.u32 s9, $0x1;
	s9 =	simm.s32 $0x200;
	[sflag:s3] =	ssyncadd.s32 $0xFFFFFF00  }
0x12: {  	[tilespmem:s9], [sflag:$0x1] =	stream.indirect.gather [hbm4b:s7+s6], $0x10, s2, s6, $0xb8;
	[tilespmem:$0x2200] =	vst v63  }
0x13: {  	s13 =	sor.u32 s10, s11;
	s10 =	simm.s32 $0x1200;
	s11 =	simm.s32 $0x1  }
0x14: {  	[tilespmem:s10], [sflag:$0x2] =	stream.indirect.gather [hbm4b:s8+s6], $0x10, s6, s6, $0xb8;
	[tilespmem:$0x2200] =	vst v63  }
0x15: {  	s14 =	simm.s32 $0x80;
	_ =	swait.ge [sflag:s11], $0x1000  }
0x16: {  	s18 =	ssub.s32 $0x2, s15;
	s17 =	sand.u32 $0x300E, s13;
	[sflag:s11] =	ssyncset.done $0x0  }
0x17: {  	s13 =	simm.s32 $0x10;
	s12 =	sadd.s32 s12, s17;
	[sflag:s11] =	ssyncadd.s32 $0xFFFFF000  }
0x18: {  	[hbm4b:s12+s13] =	stream.strided.scatter [tilespmem:s9], [sflag:$0x3], $0x1000, s14, s13, $0x38;
	[tilespmem:$0x2200] =	vst v63  }
0x19: {  	s19 =	sshrl.u32 s18, $0x1;
	_ =	swait.ge [sflag:s3], $0x1000  }
0x1a: {  	s18 =	ssub.s32 s18, s19;
	[sflag:s3] =	ssyncset.done $0x0  }
0x1b: {  	s15 =	simm.s32 $0x2;
	s31 =	smax.u32 s18, $0x1;
	[sflag:s3] =	ssyncadd.s32 $0xFFFFF000  }
0x1c: {  	p0 =	sne.s32 s31, $0x1;
	_ =	swait.ge [sflag:s15], $0x1000  }
.Ltmp0:
0x1d: {  	[sflag:s15] =	ssyncset.done $0x0;
	(pc) =	sbr.rel @!p0 .LBB2_2-.Ltmp0, $4  }
0x1e: {  	s16 =	sadd.s32 s16, s17;
	[sflag:s15] =	ssyncadd.s32 $0xFFFFF000  }
0x1f: {  	[hbm4b:s16+s13] =	stream.strided.scatter [tilespmem:s10], [sflag:$0x3], $0x1000, s14, s13, $0x38;
	[tilespmem:$0x2200] =	vst v63  }
0x20: {  	_ =	swait.ge [sflag:s3], $0x1000  }
0x21: {  	s17 =	sadd.s32 $0xFFFFFFFF, s31;
	[sflag:s3] =	ssyncset.done $0x0  }
.LBB2_1:
0x22: {  	p0 =	sne.s32 s17, $0x1;
	s17 =	sadd.s32 $0xFFFFFFFF, s17;
	[sflag:s3] =	ssyncadd.s32 $0xFFFFF000  }
0x23: {  	[tilespmem:s2], [sflag:$0x3] =	stream.linear.gather [hbm4b:s4+s2], $0x100, $0x38;
	[tilespmem:$0x2200] =	vst v63  }
0x24: {  	_ =	swait.ge [sflag:s3], $0x100  }
0x25: {  	[sflag:s3] =	ssyncset.done $0x0  }
0x26: {  	[sflag:s3] =	ssyncadd.s32 $0xFFFFFF00  }
0x27: {  	[tilespmem:s6], [sflag:$0x3] =	stream.linear.gather [hbm4b:s5+s2], $0x100, $0x38;
	[tilespmem:$0x2200] =	vst v63  }
0x28: {  	_ =	swait.ge [sflag:s3], $0x100  }
0x29: {  	[sflag:s3] =	ssyncset.done $0x0  }
0x2a: {  	[sflag:s3] =	ssyncadd.s32 $0xFFFFFF00  }
0x2b: {  	[tilespmem:s9], [sflag:$0x1] =	stream.indirect.gather [hbm4b:s7+s6], $0x10, s2, s6, $0xb8;
	[tilespmem:$0x2200] =	vst v63  }
0x2c: {  	_ = 	snop  }
0x2d: {  	[tilespmem:s10], [sflag:$0x2] =	stream.indirect.gather [hbm4b:s8+s6], $0x10, s6, s6, $0xb8;
	[tilespmem:$0x2200] =	vst v63  }
0x2e: {  	_ =	swait.ge [sflag:s11], $0x1000  }
0x2f: {  	[sflag:s11] =	ssyncset.done $0x0  }
0x30: {  	[sflag:s11] =	ssyncadd.s32 $0xFFFFF000  }
0x31: {  	[hbm4b:s12+s13] =	stream.strided.scatter [tilespmem:s9], [sflag:$0x3], $0x1000, s14, s13, $0x38;
	[tilespmem:$0x2200] =	vst v63  }
0x32: {  	_ =	swait.ge [sflag:s3], $0x1000  }
0x33: {  	[sflag:s3] =	ssyncset.done $0x0  }
0x34: {  	[sflag:s3] =	ssyncadd.s32 $0xFFFFF000  }
0x35: {  	_ =	swait.ge [sflag:s15], $0x1000  }
.Ltmp1:
0x36: {  	[sflag:s15] =	ssyncset.done $0x0;
	(pc) =	sbr.rel @p0 .LBB2_1-.Ltmp1, $4  }
0x37: {  	[sflag:s15] =	ssyncadd.s32 $0xFFFFF000  }
0x38: {  	[hbm4b:s16+s13] =	stream.strided.scatter [tilespmem:s10], [sflag:$0x3], $0x1000, s14, s13, $0x38;
	[tilespmem:$0x2200] =	vst v63  }
0x39: {  	_ =	swait.ge [sflag:s3], $0x1000  }
0x3a: {  	[sflag:s3] =	ssyncset.done $0x0  }
.LBB2_2:
0x3b: {  	[sflag:s3] =	ssyncadd.s32 $0xFFFFF000  }
0x3c: {  	_ =	sfence.sel $0x180000  }
0x3d: {  	[bflag:$0x0] =	sbarrier.arrive $0xFFFF  }
0x3e: {  	p0 =	sne.s32 s0, $0x0;
	_ =	strace $0x90000047  }
0x3f: {  	s0 =	sadd.s32 @!p0 $0x100000, s1;
	[bflag:$0x2] =	sbarrier.arrive $0xFFFF  }
0x40: {  	[sflag:s0] =	ssyncadd.tile.s32 @!p0 $0x1;
	_ =	shalt  }
.Lfunc_end2:
_tile_overlayer_lowered:
.L_overlay_start_2:
0x41: {  	(tag) =	ssettag $0x2  }
0x42: {  	s0 =	rddreg [dreg:$0x0];
	s2 =	stileid.u32  }
0x43: {  	s1 =	rddreg [dreg:$0x1];
	p0 =	sne.s32 s2, $0x0  }
0x44: {  	s3 =	rddreg [dreg:$0x2];
	[bflag:$0x3] =	sbarrier.arrive $0xFFFF;
	s2 =	simm.s32 @!p0 $0x1C03  }
0x45: {  	[timem:s3], [sflag:s2] =	dma.local @!p0 [hbm:s0], s1  }
0x46: {  	s0 =	simm.s32 @!p0 $0x3  }
0x47: {  	_ =	swait.ge @!p0 [sflag:s0], s1  }
0x48: {  	s1 =	ssub.s32 @!p0 $0x0, s1;
	[sflag:s0] =	ssyncset.done @!p0 $0x0  }
0x49: {  	[sflag:s0] =	ssyncadd.s32 @!p0 s1  }
0x4a: {  	[bflag:$0x3] =	sbarrier.arrive $0xFFFF  }
0x4b: {  	_ =	shalt  }

</sc_bundles>
